<compile_context>
chip_gen: v7x
topology: tpu7x:2x2x1
jax: 0.10.2.dev20260603
libtpu: 0.0.44.dev20260713+nightly
codegen_flags: <defaults>
</compile_context>

<pallas_src>
import jax
import jax.numpy as jnp
from jax.experimental import pallas as pl
from jax.experimental.pallas import tpu as pltpu

NUM_EXPERTS = 64
HIDDEN = 768
FF = 512
TOKENS = 2048
BLOCK = 128
GRID = TOKENS // BLOCK + NUM_EXPERTS
NSLOTS = GRID * BLOCK
OUT_BLOCKS = TOKENS // BLOCK
DUMP = TOKENS


def _mlp_kernel(nblk_ref, bexp_ref,
                tok_ref, x_ref, gu_w_ref, dn_w_ref,
                y_ref,
                w1_s, w2_s):
    b = pl.program_id(0)

    changed = jnp.logical_or(b == 0, bexp_ref[b] != bexp_ref[jnp.maximum(b - 1, 0)])

    @pl.when(jnp.logical_and(b < nblk_ref[0], changed))
    def _():
        w1_s[...] = gu_w_ref[0].astype(jnp.bfloat16)
        w2_s[...] = dn_w_ref[0].astype(jnp.bfloat16)

    @pl.when(b < nblk_ref[0])
    def _():
        ids = tok_ref[0, 0, :]
        sel = (ids[:, None] == jax.lax.broadcasted_iota(
            jnp.int32, (BLOCK, TOKENS), 1))
        p = sel.astype(jnp.bfloat16)
        x = jax.lax.dot_general(
            p, x_ref[...], (((1,), (0,)), ((), ())),
            preferred_element_type=jnp.float32).astype(jnp.bfloat16)
        gu = jax.lax.dot_general(
            x, w1_s[...], (((1,), (1,)), ((), ())),
            preferred_element_type=jnp.float32)
        gate = gu[:, :FF]
        up = gu[:, FF:]
        h = (gate * jax.nn.sigmoid(gate) * up).astype(jnp.bfloat16)
        y = jax.lax.dot_general(
            h, w2_s[...], (((1,), (1,)), ((), ())),
            preferred_element_type=jnp.float32)
        y_ref[...] = y.astype(jnp.bfloat16)

    @pl.when(b >= nblk_ref[0])
    def _():
        y_ref[...] = jnp.zeros((BLOCK, HIDDEN), jnp.bfloat16)


def _combine_kernel(slot_ref, w_ref, y_ref, out_ref):
    slots = slot_ref[0, 0, :]
    w = w_ref[0, 0, :]
    sel = (slots[:, None] == jax.lax.broadcasted_iota(
        jnp.int32, (BLOCK, NSLOTS), 1))
    q = jnp.where(sel, w[:, None], 0.0).astype(jnp.bfloat16)
    out_ref[...] = jax.lax.dot_general(
        q, y_ref[...], (((1,), (0,)), ((), ())),
        preferred_element_type=jnp.float32)


@jax.jit
def kernel(hidden_states, top_k_index, top_k_weights, gate_up_proj, down_proj):
    e = top_k_index[:, 0].astype(jnp.int32)
    sort_idx = jnp.argsort(e).astype(jnp.int32)
    counts = jnp.bincount(e, length=NUM_EXPERTS).astype(jnp.int32)
    nb = (counts + BLOCK - 1) // BLOCK
    start_blk = jnp.cumsum(nb) - nb
    nblocks = jnp.sum(nb).astype(jnp.int32)
    offsets = jnp.cumsum(counts) - counts

    b_ids = jnp.arange(GRID, dtype=jnp.int32)
    e_of_b = (jnp.searchsorted(start_blk, b_ids, side="right") - 1).astype(
        jnp.int32)
    p = (b_ids - start_blk[e_of_b])[:, None] * BLOCK + jnp.arange(
        BLOCK, dtype=jnp.int32)[None, :]
    valid = p < counts[e_of_b][:, None]
    spos = jnp.clip(offsets[e_of_b][:, None] + p, 0, TOKENS - 1)
    tok = jnp.where(valid, sort_idx[spos], DUMP).astype(jnp.int32)

    flat_tok = tok.reshape(-1)
    slot_of = jnp.zeros((TOKENS,), jnp.int32).at[flat_tok].set(
        jnp.arange(NSLOTS, dtype=jnp.int32), mode="drop")

    probe = pl.pallas_call(
        lambda t_ref, o_ref: o_ref.__setitem__((slice(None), slice(None)), t_ref[0].astype(jnp.float32)),
        grid=(1,),
        in_specs=[pl.BlockSpec((1, 1, BLOCK), lambda b: (b, 0, 0))],
        out_specs=pl.BlockSpec((1, BLOCK), lambda b: (0, 0)),
        out_shape=jax.ShapeDtypeStruct((1, BLOCK), jnp.float32),
    )(tok.reshape(GRID, 1, BLOCK))
    out = jnp.zeros((TOKENS, HIDDEN), jnp.float32)
    out = out.at[0:1, 0:BLOCK].add(probe)
    out = out.at[0, 0].add(slot_of.sum().astype(jnp.float32)
                           + e_of_b.sum().astype(jnp.float32)
                           + nblocks.astype(jnp.float32))
    return out

# --- scband reference (transcript-rebuilt; emitter-appended) ---
"""Pipeline reference for scband-mini-qwen3-next-experts-74517682586451 (READ-ONLY COPY).

The authoritative reference and input builder live on the scoring server;
editing this copy changes nothing except your own understanding.
"""

import jax, jax.numpy as jnp
import numpy as np

NUM_EXPERTS = 64
HIDDEN = 768
FF = 512
TOKENS = 2048
TOP_K = 1

def setup_inputs(seed: int = 0):
    key = jax.random.key(seed)
    k1, k2, k3, k4, k5 = jax.random.split(key, 5)
    hidden_states = jax.random.normal(k1, (TOKENS, HIDDEN), dtype=jnp.float32)
    top_k_index = jax.random.randint(k2, (TOKENS, TOP_K), 0, NUM_EXPERTS)
    top_k_weights = jax.random.uniform(k3, (TOKENS, TOP_K), dtype=jnp.float32)
    gate_up_proj = jax.random.normal(k4, (NUM_EXPERTS, 2 * FF, HIDDEN), dtype=jnp.float32) * 0.02
    down_proj = jax.random.normal(k5, (NUM_EXPERTS, HIDDEN, FF), dtype=jnp.float32) * 0.02
    return {
        "hidden_states": hidden_states,
        "top_k_index": top_k_index,
        "top_k_weights": top_k_weights,
        "gate_up_proj": gate_up_proj,
        "down_proj": down_proj,
    }

def reference(hidden_states, top_k_index, top_k_weights, gate_up_proj, down_proj):
    # Faithful translation of MiniQwen3NextExperts.forward:
    # expert_mask = one_hot(top_k_index).permute(2,1,0) -> mask[e] is [top_k, tokens]
    # for each hit expert: gated SiLU MLP on all tokens, contribution masked to the
    # routed tokens (exact 0.0 elsewhere), scaled by routing weight, accumulated.
    num_experts = gate_up_proj.shape[0]
    top_k = top_k_index.shape[1]
    out = jnp.zeros_like(hidden_states)
    for e in range(num_experts):
        gu = hidden_states @ gate_up_proj[e].T
        gate, up = jnp.split(gu, 2, axis=-1)
        h = jax.nn.silu(gate) * up
        h = h @ down_proj[e].T
        for k in range(top_k):
            w = jnp.where(top_k_index[:, k] == e, top_k_weights[:, k], 0.0)
            out = out + h * w[:, None]
    return out

if __name__ == "__main__":
    import jax
    _d = setup_inputs()
    print(jax.jit(kernel)(*tuple(_d.values())))

</pallas_src>

<mosaic_0001>
module attributes {stable_mosaic.version = 14 : i64} {
  func.func @_lambda_(%arg0: i32, %arg1: memref<1x1x128xi32, #tpu.memory_space<vmem>>, %arg2: memref<1x128xf32, #tpu.memory_space<vmem>>) attributes {dimension_semantics = [#tpu.dimension_semantics<arbitrary>], iteration_bounds = array<i64: 1>, scalar_prefetch = 0 : i64, scratch_operands = 0 : i64, tpu.core_type = #tpu.core_type<tc>, window_params = [{transform_indices = @transform_0, window_bounds = array<i64: 1, 1, 128>}, {pipeline_mode = #tpu.pipeline_mode<synchronous>, transform_indices = @transform_1, window_bounds = array<i64: 1, 128>}]} {
    %get3A = arith.constant 0 : index
    %get3A_0 = arith.constant 0 : index
    %get3A_1 = arith.constant 0 : index
    %get3A_2 = vector.load %arg1[%get3A, %get3A_0, %get3A_1] : memref<1x1x128xi32, #tpu.memory_space<vmem>>, vector<1x1x128xi32>
    %get3A_3 = vector.shape_cast %get3A_2 : vector<1x1x128xi32> to vector<1x128xi32>
    %convert_element_type3A = arith.sitofp %get3A_3 : vector<1x128xi32> to vector<1x128xf32>
    %swap3A = arith.constant 0 : index
    %swap3A_4 = arith.constant 0 : index
    %swap3A_5 = vector.load %arg2[%swap3A, %swap3A_4] : memref<1x128xf32, #tpu.memory_space<vmem>>, vector<1x128xf32>
    tpu.vector_store %arg2[%swap3A, %swap3A_4], %convert_element_type3A {strides = array<i32>} : memref<1x128xf32, #tpu.memory_space<vmem>>, vector<1x128xf32>,
    return
  }
  func.func @transform_0(%arg0: i32) -> (i32, i32, i32) {
    %c0_i32 = arith.constant 0 : i32
    %c0_i32_0 = arith.constant 0 : i32
    %c0_i32_1 = arith.constant 0 : i32
    return %arg0, %c0_i32, %c0_i32_0 : i32, i32, i32
  }
  func.func @transform_1(%arg0: i32) -> (i32, i32) {
    %c0_i32 = arith.constant 0 : i32
    %c0_i32_0 = arith.constant 0 : i32
    %c0_i32_1 = arith.constant 0 : i32
    return %c0_i32, %c0_i32_0 : i32, i32
  }
}

</mosaic_0001>

<sc_bundles>
// kernel: scatter_offload_async_start
scs
__scs_entry_jumppad:
0x0: {  	(pc) =	sbr.rel $0x88, $3  }
0x1: {  	(tag) =	ssettag $0x0;
	lr =	simm.s32 $0x1  }
0x2: {  	[smem:$0x3FA0] =	sst lr;
	_ =	strace $0xD0000000  }
0x3: {  	_ = 	snop  }
0x4: {  	_ = 	snop  }
0x5: {  	_ = 	snop  }
0x6: {  	_ = 	snop  }
0x7: {  	_ = 	snop  }
__scs_overlays_trampoline_lowered:
0x8: {  	[smem:$0x3FAF] =	sst s0  }
0x9: {  	[smem:$0x3FB0] =	sst s1  }
0xa: {  	[smem:$0x3FB1] =	sst s2  }
0xb: {  	[smem:$0x3FB2] =	sst s3  }
0xc: {  	[smem:$0x3FB3] =	sst s4  }
0xd: {  	[smem:$0x3FB4] =	sst s5  }
0xe: {  	[smem:$0x3FB5] =	sst s6  }
0xf: {  	[smem:$0x3FB6] =	sst s7  }
0x10: {  	[smem:$0x3FB7] =	sst s8  }
0x11: {  	[smem:$0x3FB8] =	sst s9;
	s0 =	simm.s32 @!p0 $0x0  }
0x12: {  	s1 =	sld [smem:$0x3F9E];
	s0 =	simm.s32 @p0 $0x1  }
0x13: {  	[smem:$0x3FB9] =	sst s0;
	s0 =	simm.s32 @!p1 $0x0  }
0x14: {  	s2 =	sld [smem:$0x3F9D];
	s0 =	simm.s32 @p1 $0x1  }
0x15: {  	[smem:$0x3FBA] =	sst s0;
	s0 =	simm.s32 @!p2 $0x0  }
0x16: {  	s3 =	sld [smem:$0x3FDB];
	s0 =	simm.s32 @p2 $0x1  }
0x17: {  	s4 =	simm.s32 $0x1BF5;
	[smem:$0x3FBC] =	sst s0  }
0x18: {  	s0 =	sld [smem:$0x3F9F];
	_ =	swait.ge [sflag:s4], $0x0  }
0x19: {  	s7 =	sld [smem:$0x3FA0]  }
0x1a: {  	s8 =	sadd.s32 $0xFFFFE003, lr  }
0x1b: {  	s9 =	sadd.s32 $0xFFFFFEF7, lr;
	s5 =	simm.s32 $0xFFFFFFFF;
	p2 =	slt.u32 s8, $0xFFFFF086  }
0x1c: {  	p1 =	slt.u32 s9, $0xF7A;
	s5 =	simm.s32 @!p2 $0x0  }
0x1d: {  	s5 =	simm.s32 @p1 $0x1;
	p0 =	seq.s32 s7, s2  }
0x1e: {  	s7 =	smul.u32 @!p0 $0xF7A, s2;
	p2 =	seq.s32 @!p0 s5, $0x0  }
0x1f: {  	s9 =	smul.u32 $0xF7A, s1;
	s8 =	simm.s32 @!p0 $0x1BF5;
	p2 =	por !p2, p0  }
0x20: {  	[sflag:s8] =	ssyncset.s32 @!p0 $0xFFFFF086;
	s6 =	sadd.s32 @!p0 s3, s7;
	s7 =	simm.s32 @!p0 $0x108  }
0x21: {  	s3 =	sadd.s32 s3, s9;
	s6 =	sadd.s32 @!p0 $0x88, s6;
	s7 =	simm.s32 @p2 $0x1082  }
0x22: {  	[simem:s7], [sflag:s8] =	dma.local @!p0 [hbm:s6], $0xF7A  }
0x23: {  	s9 =	sor.u32 $0xD0000000, s2;
	s6 =	simm.s32 $0x108;
	_ =	swait.ge @!p0 [sflag:s8], $0x0  }
0x24: {  	s3 =	sadd.s32 $0x88, s3;
	s6 =	simm.s32 @!p1 $0x1082;
	[sflag:s4] =	ssyncset.s32 $0xFFFFF086  }
0x25: {  	[simem:s6], [sflag:s4] =	dma.local [hbm:s3], $0xF7A  }
0x26: {  	[smem:$0x3FA0] =	sst s1;
	(tag) =	ssettag s2;
	_ =	strace s9  }
0x27: {  	s1 =	sld [smem:$0x3FB0]  }
0x28: {  	s2 =	sld [smem:$0x3FB1]  }
0x29: {  	s4 =	sld [smem:$0x3FB3]  }
0x2a: {  	p0 =	seq.s32 s5, $0x0;
	s5 =	sld [smem:$0x3FB4]  }
0x2b: {  	s6 =	sld [smem:$0x3FB5]  }
0x2c: {  	s7 =	sld [smem:$0x3FB6]  }
0x2d: {  	s3 =	simm.s32 $0x108;
	s8 =	sld [smem:$0x3FB7]  }
0x2e: {  	s3 =	simm.s32 @!p0 $0x1082;
	s9 =	sld [smem:$0x3FB8]  }
0x2f: {  	lr =	sadd.s32 s0, s3;
	s0 =	sld [smem:$0x3FAF]  }
0x30: {  	s3 =	sld [smem:$0x3FB2]  }
0x31: {  	[smem:$0x3FBB] =	sst s10  }
0x32: {  	s10 =	sld [smem:$0x3FB9];
	_ =	sdelay $0x3  }
0x33: {  	p0 =	seq.s32 s10, $0x1;
	s10 =	sld [smem:$0x3FBB];
	_ =	sdelay $0x3  }
0x34: {  	[smem:$0x3FBB] =	sst s10  }
0x35: {  	s10 =	sld [smem:$0x3FBA];
	_ =	sdelay $0x3  }
0x36: {  	p1 =	seq.s32 s10, $0x1;
	s10 =	sld [smem:$0x3FBB];
	_ =	sdelay $0x3  }
0x37: {  	[smem:$0x3FBB] =	sst s10  }
0x38: {  	s10 =	sld [smem:$0x3FBC]  }
0x39: {  	_ = 	snop;
	(pc) =	sbr.ind lr, $3  }
0x3a: {  	_ = 	snop  }
0x3b: {  	_ = 	snop  }
0x3c: {  	p2 =	seq.s32 s10, $0x1;
	s10 =	sld [smem:$0x3FBB]  }
0x3d: {  	_ =	shalt  }
0x3e: {  	_ =	shalt  }
0x3f: {  	_ =	shalt  }
0x40: {  	_ =	shalt  }
0x41: {  	_ =	shalt  }
0x42: {  	_ =	shalt  }
0x43: {  	_ =	shalt  }
0x44: {  	_ =	shalt  }
0x45: {  	_ =	shalt  }
0x46: {  	_ =	shalt  }
0x47: {  	_ =	shalt  }
0x48: {  	_ =	shalt  }
0x49: {  	_ =	shalt  }
0x4a: {  	_ =	shalt  }
0x4b: {  	_ =	shalt  }
0x4c: {  	_ =	shalt  }
0x4d: {  	_ =	shalt  }
0x4e: {  	_ =	shalt  }
0x4f: {  	_ =	shalt  }
0x50: {  	_ =	shalt  }
0x51: {  	_ =	shalt  }
0x52: {  	_ =	shalt  }
0x53: {  	_ =	shalt  }
0x54: {  	_ =	shalt  }
0x55: {  	_ =	shalt  }
0x56: {  	_ =	shalt  }
0x57: {  	_ =	shalt  }
0x58: {  	_ =	shalt  }
0x59: {  	_ =	shalt  }
0x5a: {  	_ =	shalt  }
0x5b: {  	_ =	shalt  }
0x5c: {  	_ =	shalt  }
0x5d: {  	_ =	shalt  }
0x5e: {  	_ =	shalt  }
0x5f: {  	_ =	shalt  }
0x60: {  	_ =	shalt  }
0x61: {  	_ =	shalt  }
0x62: {  	_ =	shalt  }
0x63: {  	_ =	shalt  }
0x64: {  	_ =	shalt  }
0x65: {  	_ =	shalt  }
0x66: {  	_ =	shalt  }
0x67: {  	_ =	shalt  }
0x68: {  	_ =	shalt  }
0x69: {  	_ =	shalt  }
0x6a: {  	_ =	shalt  }
0x6b: {  	_ =	shalt  }
0x6c: {  	_ =	shalt  }
0x6d: {  	_ =	shalt  }
0x6e: {  	_ =	shalt  }
0x6f: {  	_ =	shalt  }
0x70: {  	_ =	shalt  }
0x71: {  	_ =	shalt  }
0x72: {  	_ =	shalt  }
0x73: {  	_ =	shalt  }
0x74: {  	_ =	shalt  }
0x75: {  	_ =	shalt  }
0x76: {  	_ =	shalt  }
0x77: {  	_ =	shalt  }
0x78: {  	_ =	shalt  }
0x79: {  	_ =	shalt  }
0x7a: {  	_ =	shalt  }
0x7b: {  	_ =	shalt  }
0x7c: {  	_ =	shalt  }
0x7d: {  	_ =	shalt  }
0x7e: {  	_ =	shalt  }
0x7f: {  	_ =	shalt  }
0x80: {  	_ =	shalt  }
0x81: {  	_ =	shalt  }
0x82: {  	_ =	shalt  }
0x83: {  	_ =	shalt  }
0x84: {  	_ =	shalt  }
0x85: {  	_ =	shalt  }
0x86: {  	_ =	shalt  }
0x87: {  	_ =	shalt  }
.Lfunc_end0:
.L_simem_size_0:
called_computation_lowered:
.L_overlay_start_0:
0x88: {  	s0 =	sld [smem:$0x3FD9]  }
0x89: {  	s1 =	sld [smem:$0x3FFE];
	_ =	sdelay $0x3  }
0x8a: {  	s0 =	sadd.s32 s1, s0  }
0x8b: {  	[smem:$0x3FC7] =	sst s0  }
0x8c: {  	_ = 	snop  }
0x8d: {  	(tm) =	ssettm $0x1  }
0x8e: {  	s15 =	sld [smem:$0x3FFB];
	_ =	sdelay $0x3  }
0x8f: {  	_ =	strace s15  }
0x90: {  	s0 =	sld [smem:$0x3FFC];
	_ =	sdelay $0x3  }
0x91: {  	_ =	strace s0  }
0x92: {  	s0 =	sld [smem:$0x3FFD];
	_ =	sdelay $0x3  }
0x93: {  	_ =	strace s0  }
0x94: {  	_ =	strace $0x8FFFFFFF  }
0x95: {  	s16 =	sld [smem:$0x3FDB];
	_ =	sdelay $0x1  }
0x96: {  	s17 =	simm.s32 $_scs_section_size  }
0x97: {  	s2 =	simm.s32 $_size__tile_overlayer_lowered;
	s3 =	simm.s32 $_tile_overlayer_lowered  }
0x98: {  	s20 =	simm.s32 $0x1BFF;
	s19 =	sshll.u32 s3, $0x1;
	s0 =	sadd.s32 s17, s16  }
0x99: {  	s4 =	simm.s32 $0x0;
	s18 =	sshll.u32 s2, $0x1;
	s2 =	sadd.s32 s19, s0  }
0x9a: {  	[timem:s4], [sflag:s20] =	dma.local [hbm:s2], s18  }
0x9b: {  	_ =	swait.ge [sflag:s20], s18  }
0x9c: {  	s1 =	ssub.s32 $0x0, s18;
	[sflag:s20] =	ssyncset.done $0x0  }
0x9d: {  	[sflag:s20] =	ssyncadd.s32 s1;
	_ =	sdelay $0x1  }
0x9e: {  	s21 =	simm.s32 $0x1B8B  }
0x9f: {  	_ =	swait.ge [sflag:s21], $0x1  }
0xa0: {  	[sflag:s21] =	ssyncset.done $0x0  }
0xa1: {  	s23 =	simm.s32 $0x1B8E;
	s22 =	sld [smem:$0x3FFE];
	[sflag:s21] =	ssyncadd.s32 $0xFFFFFFFF  }
0xa2: {  	s24 =	simm.s32 $execute0_lowered;
	[smem:$0x3FD2] =	sst s23  }
0xa3: {  	s2 =	sshll.u32 s24, $0x1;
	_ =	strace $0x80000046;
	[dreg:$0x1] =	wrdreg $0xFFFFFFFF  }
0xa4: {  	s25 =	simm.s32 $_size_execute0_lowered;
	s0 =	sadd.s32 s0, s2;
	[dreg:$0x0] =	wrdreg $0x0  }
0xa5: {  	s2 =	sshll.u32 s25, $0x1;
	[dreg:$0x2] =	wrdreg s0  }
0xa6: {  	[dreg:$0x3] =	wrdreg s2  }
0xa7: {  	[dreg:$0x4] =	wrdreg $0xC0  }
0xa8: {  	_ =	task [dreg:s4], $0x5FFFF  }
0xa9: {  	[dreg:$0x1] =	wrdreg $0xFFFFFFFF  }
0xaa: {  	[dreg:$0x0] =	wrdreg $0x60  }
0xab: {  	[dreg:$0x2] =	wrdreg s22  }
0xac: {  	[dreg:$0x3] =	wrdreg $0x9  }
0xad: {  	_ =	task.clear_ibuf [dreg:s4], $0x4FFFF;
	_ =	strace $0x90000046  }
0xae: {  	s26 =	simm.s32 $0x9;
	_ =	strace $0x80000048  }
0xaf: {  	_ =	swait.ge [sflag:s26], $0x1  }
0xb0: {  	[sflag:s26] =	ssyncadd.s32 $0xFFFFFFFF  }
0xb1: {  	_ =	strace $0x90000048  }
0xb2: {  	_ =	sfence  }
0xb3: {  	s28 =	sld [smem:$0x0];
	_ =	sdelay $0x1  }
0xb4: {  	s29 =	srdreg.scid  }
0xb5: {  	s30 =	sshll.u32 s29, $0xD;
	s31 =	sshrl.u32 s29, $0x2  }
0xb6: {  	s1 =	sand.u32 $0x1, s29;
	s2 =	sand.u32 $0x4000, s30;
	s0 =	sadd.s32 s31, s28  }
0xb7: {  	s1 =	sor.u32 s2, s1;
	s0 =	sshll.u32 s0, $0x11  }
0xb8: {  	s0 =	sor.u32 s0, s1  }
0xb9: {  	s0 =	sadd.s32 $0x8F2B, s0  }
0xba: {  	[sflag:s0] =	ssyncadd.remote.s32 $0x1  }
0xbb: {  	_ =	sfence.sel $0xFFFF  }
0xbc: {  	[dreg:$0x0] =	wrdreg $0xFFFFFFFF;
	(pc) =	sbr.abs _section_cstart, $3  }
0xbd: {  	[dreg:$0x1] =	wrdreg $0xFFFFFFFF  }
0xbe: {  	_ =	task.clear_ibuf [dreg:s4], $0x2FFFF;
	_ =	strace $0x9FFFFFFF  }
0xbf: {  	(tm) =	ssettm $0x7FFFFFFF  }
tec
execute0_lowered:
.L_overlay_start_1:
0x0: {  	(tag) =	ssettag $0x1  }
0x1: {  	s4 =	rddreg [dreg:$0x0]  }
0x2: {  	s0 =	rddreg [dreg:$0x1];
	_ =	strace $0x80000047;
	s5 =	stileid.u32  }
0x3: {  	s3 =	simm.s32 $0x3E;
	s1 =	sadd.s32 $0x400, s4;
	p0 =	sne.s32 s5, $0x0  }
0x4: {  	[sflag:s3] =	ssyncpa.u1 $0x0;
	s6 =	simm.s32 @!p0 $0x1C3E;
	s2 =	simm.s32 @!p0 $0x0  }
0x5: {  	[spmem:s2], [sflag:s6] =	dma.local @!p0 [hbm:s1], $0x10  }
0x6: {  	s6 =	simm.s32 @!p0 $0x3E  }
0x7: {  	_ =	swait.ge @!p0 [sflag:s6], $0x10  }
0x8: {  	[sflag:s6] =	ssyncset.done @!p0 $0x0  }
0x9: {  	s13 =	simm.s32 $0x1;
	[sflag:s6] =	ssyncadd.s32 @!p0 $0xFFFFFFF0  }
0xa: {  	s7 =	simm.s32 $0x2;
	s8 =	simm.s32 $0x0;
	[bflag:$0x0] =	sbarrier.arrive $0xFFFF  }
0xb: {  	s9 =	simm.s32 $0x88;
	s14 =	sadd.s32 $0x200, s4;
	[sflag:s3] =	ssyncpa.u1 $0x1  }
0xc: {  	s4 =	sadd.s32 $0x600, s4;
	s5 =	sshll.u32 s5, $0x4;
	[sflag:s13] =	ssyncpa.u1 $0x0  }
0xd: {  	s6 =	sadd.s32 s14, s5;
	(ifvalue) =	ssetifvalue $0x80;
	[sflag:s7] =	ssyncpa.u1 $0x0  }
0xe: {  	[tilespmem:s9], [sflag:$0x2] =	stream.linear.gather [hbm4b:s6+s8], $0x80, $0x38;
	[tilespmem:$0x208] =	vst v63  }
0xf: {  	s15 =	simm.s32 $0x188;
	s4 =	sadd.s32 s4, s5  }
0x10: {  	[tilespmem:s15], [sflag:$0x2] =	stream.linear.gather [hbm4b:s4+s8], $0x80, $0x38;
	[tilespmem:$0x208] =	vst v63  }
0x11: {  	_ =	swait.ge [sflag:s7], $0x100  }
0x12: {  	[sflag:s7] =	ssyncset.done $0x0  }
0x13: {  	[sflag:s7] =	ssyncadd.s32 $0xFFFFFF00  }
0x14: {  	v0 =	vld.msk [tilespmem:s9+$0x0 ss:$0x1], $0xffff;
	_ =	sdelay $0x4  }
0x15: {  	v0 =	vmin.u32 v0, $0x80;
	_ =	sdelay $0x3  }
0x16: {  	vm0 =	vmmov $0xffff;
	s16 =	simm.s32 $0x98  }
0x17: {  	[spmem:s8] =	stream.indirect_vreg.scatter.add.s32 [tilespmem:s15], [sflag:$0x1], $0x1, v0, vm0, $0x4038;
	[tilespmem:$0x208] =	vst v63  }
0x18: {  	v0 =	vld.msk [tilespmem:s16+$0x0 ss:$0x1], $0xffff;
	_ =	sdelay $0x4  }
0x19: {  	v0 =	vmin.u32 v0, $0x80;
	_ =	sdelay $0x3  }
0x1a: {  	s17 =	simm.s32 $0x198;
	s18 =	simm.s32 $0xA8  }
0x1b: {  	[spmem:s8] =	stream.indirect_vreg.scatter.add.s32 [tilespmem:s17], [sflag:$0x1], $0x1, v0, vm0, $0x4038;
	[tilespmem:$0x208] =	vst v63  }
0x1c: {  	v0 =	vld.msk [tilespmem:s18+$0x0 ss:$0x1], $0xffff;
	_ =	sdelay $0x4  }
0x1d: {  	v0 =	vmin.u32 v0, $0x80;
	_ =	sdelay $0x3  }
0x1e: {  	s19 =	simm.s32 $0x1A8;
	s20 =	simm.s32 $0xB8  }
0x1f: {  	[spmem:s8] =	stream.indirect_vreg.scatter.add.s32 [tilespmem:s19], [sflag:$0x1], $0x1, v0, vm0, $0x4038;
	[tilespmem:$0x208] =	vst v63  }
0x20: {  	v0 =	vld.msk [tilespmem:s20+$0x0 ss:$0x1], $0xffff;
	_ =	sdelay $0x4  }
0x21: {  	v0 =	vmin.u32 v0, $0x80;
	_ =	sdelay $0x3  }
0x22: {  	s21 =	simm.s32 $0x1B8;
	s22 =	simm.s32 $0xC8  }
0x23: {  	[spmem:s8] =	stream.indirect_vreg.scatter.add.s32 [tilespmem:s21], [sflag:$0x1], $0x1, v0, vm0, $0x4038;
	[tilespmem:$0x208] =	vst v63  }
0x24: {  	v0 =	vld.msk [tilespmem:s22+$0x0 ss:$0x1], $0xffff;
	_ =	sdelay $0x4  }
0x25: {  	v0 =	vmin.u32 v0, $0x80;
	_ =	sdelay $0x3  }
0x26: {  	s23 =	simm.s32 $0x1C8;
	s24 =	simm.s32 $0xD8  }
0x27: {  	[spmem:s8] =	stream.indirect_vreg.scatter.add.s32 [tilespmem:s23], [sflag:$0x1], $0x1, v0, vm0, $0x4038;
	[tilespmem:$0x208] =	vst v63  }
0x28: {  	v0 =	vld.msk [tilespmem:s24+$0x0 ss:$0x1], $0xffff;
	_ =	sdelay $0x4  }
0x29: {  	v0 =	vmin.u32 v0, $0x80;
	_ =	sdelay $0x3  }
0x2a: {  	s25 =	simm.s32 $0x1D8;
	s26 =	simm.s32 $0xE8  }
0x2b: {  	[spmem:s8] =	stream.indirect_vreg.scatter.add.s32 [tilespmem:s25], [sflag:$0x1], $0x1, v0, vm0, $0x4038;
	[tilespmem:$0x208] =	vst v63  }
0x2c: {  	v0 =	vld.msk [tilespmem:s26+$0x0 ss:$0x1], $0xffff;
	_ =	sdelay $0x4  }
0x2d: {  	v0 =	vmin.u32 v0, $0x80;
	_ =	sdelay $0x3  }
0x2e: {  	s28 =	simm.s32 $0x1E8;
	s29 =	simm.s32 $0xF8  }
0x2f: {  	[spmem:s8] =	stream.indirect_vreg.scatter.add.s32 [tilespmem:s28], [sflag:$0x1], $0x1, v0, vm0, $0x4038;
	[tilespmem:$0x208] =	vst v63  }
0x30: {  	v0 =	vld.msk [tilespmem:s29+$0x0 ss:$0x1], $0xffff;
	_ =	sdelay $0x4  }
0x31: {  	v0 =	vmin.u32 v0, $0x80;
	_ =	sdelay $0x3  }
0x32: {  	s30 =	simm.s32 $0x1F8  }
0x33: {  	[spmem:s8] =	stream.indirect_vreg.scatter.add.s32 [tilespmem:s30], [sflag:$0x1], $0x1, v0, vm0, $0x4038;
	[tilespmem:$0x208] =	vst v63  }
0x34: {  	_ =	swait.ge [sflag:s13], $0x80  }
0x35: {  	[sflag:s13] =	ssyncset.done $0x0  }
0x36: {  	[sflag:s13] =	ssyncadd.s32 $0xFFFFFF80  }
0x37: {  	_ =	sfence.sel $0x180000  }
0x38: {  	[bflag:$0x0] =	sbarrier.arrive $0xFFFF  }
0x39: {  	[sflag:s7] =	ssyncpa.u1 $0x1  }
0x3a: {  	[sflag:s13] =	ssyncpa.u1 $0x1  }
0x3b: {  	_ =	sfence.stream.spmem  }
0x3c: {  	s31 =	simm.s32 $0x3D;
	[bflag:$0x0] =	sbarrier.arrive $0xFFFF  }
0x3d: {  	s3 =	simm.s32 @p0 $0x3D;
	[sflag:s31] =	ssyncpa.u1 $0x0  }
0x3e: {  	[sflag:s3] =	ssyncpa.u1 @p0 $0x1  }
0x3f: {  	[bflag:$0x0] =	sbarrier.arrive @p0 $0xFFFF  }
0x40: {  	_ =	strace @p0 $0x90000047  }
0x41: {  	s3 =	simm.s32 @!p0 $0x1C3D;
	[bflag:$0x2] =	sbarrier.arrive @p0 $0xFFFF  }
0x42: {  	[hbm:s1], [sflag:s3] =	dma.local @!p0 [spmem:s2], $0x10  }
0x43: {  	s1 =	simm.s32 @!p0 $0x3D  }
0x44: {  	_ =	swait.ge @!p0 [sflag:s1], $0x10  }
0x45: {  	[sflag:s1] =	ssyncset.done @!p0 $0x0  }
0x46: {  	[sflag:s1] =	ssyncadd.s32 @!p0 $0xFFFFFFF0  }
0x47: {  	[sflag:s1] =	ssyncpa.u1 @!p0 $0x1  }
0x48: {  	[bflag:$0x0] =	sbarrier.arrive @!p0 $0xFFFF  }
0x49: {  	_ =	strace @!p0 $0x90000047  }
0x4a: {  	s0 =	sadd.s32 @!p0 $0x100000, s0;
	[bflag:$0x2] =	sbarrier.arrive @!p0 $0xFFFF  }
0x4b: {  	[sflag:s0] =	ssyncadd.tile.s32 @!p0 $0x1;
	_ =	shalt  }
.Lfunc_end2:
_tile_overlayer_lowered:
.L_overlay_start_2:
0x4c: {  	(tag) =	ssettag $0x2  }
0x4d: {  	s0 =	rddreg [dreg:$0x0];
	s2 =	stileid.u32  }
0x4e: {  	s1 =	rddreg [dreg:$0x1];
	p0 =	sne.s32 s2, $0x0  }
0x4f: {  	s3 =	rddreg [dreg:$0x2];
	[bflag:$0x3] =	sbarrier.arrive $0xFFFF;
	s2 =	simm.s32 @!p0 $0x1C01  }
0x50: {  	[timem:s3], [sflag:s2] =	dma.local @!p0 [hbm:s0], s1  }
0x51: {  	s0 =	simm.s32 @!p0 $0x1  }
0x52: {  	_ =	swait.ge @!p0 [sflag:s0], s1  }
0x53: {  	s1 =	ssub.s32 @!p0 $0x0, s1;
	[sflag:s0] =	ssyncset.done @!p0 $0x0  }
0x54: {  	[sflag:s0] =	ssyncadd.s32 @!p0 s1  }
0x55: {  	[bflag:$0x3] =	sbarrier.arrive $0xFFFF  }
0x56: {  	_ =	shalt  }

</sc_bundles>
